<compile_context>
chip_gen: v7x
topology: tpu7x:2x2x1
jax: 0.10.2.dev20260603
libtpu: 0.0.44.dev20260713+nightly
codegen_flags: <defaults>
</compile_context>

<pallas_src>
import functools

import jax
import jax.numpy as jnp
from jax import lax
from jax.experimental import pallas as pl
from jax.experimental.pallas import tpu as pltpu
from jax.experimental.pallas import tpu_sc as plsc

NUM_CLASSES = 3
K = 5
M = 500
MP = 512
N = 65536
R = 8
FLAT = MP * K


def _topk_body(gt_ref, vp_ref, cd_ref, mask_ref, inds_ref, hmf_ref, rb_ref,
               dist_ref):
    f32 = jnp.float32
    i = pl.program_id(0)
    g = gt_ref[...]
    x, y, z = g[:, 0:1], g[:, 1:2], g[:, 2:3]
    sx, sy, sz = g[:, 3:4], g[:, 4:5], g[:, 5:6]
    head, clsf = g[:, 6:7], g[:, 7:8]

    valid_b = ((sx > 0) & (sy > 0) & (sz > 0)
               & (x >= f32(-75.2)) & (y >= f32(-75.2))
               & (x < f32(75.2)) & (y < f32(75.2)))
    valid = valid_b.astype(f32)

    cx = jnp.clip((x - f32(-75.2)) / f32(0.1) / f32(4.0), f32(0.0), f32(375.5))
    cy = jnp.clip((y - f32(-75.2)) / f32(0.1) / f32(4.0), f32(0.0), f32(375.5))
    dxw = sx / f32(0.1) / f32(4.0)
    dyw = sy / f32(0.1) / f32(4.0)
    radius = jnp.sqrt((dxw / 2.0) ** 2 + (dyw / 2.0) ** 2)

    vxh = vp_ref[0:1, :]
    vyh = vp_ref[1:2, :]
    pk = vp_ref[2:3, :]
    dist_ref[...] = jnp.abs(vxh - cx) + jnp.abs(vyh - cy)

    iota = lax.broadcasted_iota(jnp.int32, (R, N), 1)
    vals, idxs, gpks = [], [], []
    for _ in range(K):
        d = dist_ref[...]
        m = jnp.min(d, axis=1, keepdims=True)
        idx = jnp.min(jnp.where(d == m, iota, N), axis=1, keepdims=True)
        win = iota == idx
        gpk = jnp.sum(jnp.where(win, pk, f32(0.0)), axis=1, keepdims=True)
        dist_ref[...] = jnp.where(win, f32(jnp.inf), d)
        vals.append(m)
        idxs.append(idx)
        gpks.append(gpk)
    valsm = jnp.concatenate(vals, axis=1)
    indsm = jnp.concatenate(idxs, axis=1)
    gpkm = jnp.concatenate(gpks, axis=1)

    cd_ref[...] = valsm * valid

    rio = lax.broadcasted_iota(jnp.int32, (R, K), 0)
    grow = rio + i * R
    base_mask = (valsm <= radius).astype(f32)
    mask_ref[...] = jnp.where(grow == 0, f32(1.0), base_mask) * valid

    inds_ref[...] = indsm * valid.astype(jnp.int32)

    cls_id = jnp.clip(clsf - 1.0, 0.0, float(NUM_CLASSES - 1)).astype(jnp.int32)
    hmf_ref[...] = jnp.where(valid_b, cls_id * N + indsm, NUM_CLASSES * N)

    gx = jnp.floor(gpkm * f32(1.0 / 512.0))
    gy = gpkm - gx * f32(512.0)
    offx = (cx - gx) - f32(0.5)
    offy = (cy - gy) - f32(0.5)
    lx, ly, lz = jnp.log(sx), jnp.log(sy), jnp.log(sz)
    ch, sh = jnp.cos(head), jnp.sin(head)
    cols = []
    for k in range(K):
        cols.extend([offx[:, k:k + 1], offy[:, k:k + 1], z, lx, ly, lz, ch, sh])
    rb_ref[...] = jnp.concatenate(cols, axis=1) * valid


def _run_topk(gt_pad, vp):
    out_shapes = [
        jax.ShapeDtypeStruct((MP, K), jnp.float32),
        jax.ShapeDtypeStruct((MP, K), jnp.float32),
        jax.ShapeDtypeStruct((MP, K), jnp.int32),
        jax.ShapeDtypeStruct((MP, K), jnp.int32),
        jax.ShapeDtypeStruct((MP, K * 8), jnp.float32),
    ]
    small = lambda w, d: pl.BlockSpec((R, w), lambda i: (i, 0))
    return pl.pallas_call(
        _topk_body,
        grid=(MP // R,),
        in_specs=[
            pl.BlockSpec((R, 8), lambda i: (i, 0)),
            pl.BlockSpec((8, N), lambda i: (0, 0)),
        ],
        out_specs=[
            small(K, jnp.float32),
            small(K, jnp.float32),
            small(K, jnp.int32),
            small(K, jnp.int32),
            small(K * 8, jnp.float32),
        ],
        out_shape=out_shapes,
        scratch_shapes=[pltpu.VMEM((R, N), jnp.float32)],
    )(gt_pad, vp)


def _hm_body(hmf_hbm, zero_hbm, out_hbm, idx_v, row_v):
    cid = lax.axis_index("c")
    sid = lax.axis_index("s")

    @pl.when((cid == 0) & (sid < NUM_CLASSES))
    def _():
        pltpu.sync_copy(zero_hbm.at[sid], row_v)
        pltpu.sync_copy(hmf_hbm, idx_v)
        ones = jnp.full((16,), 1.0, jnp.float32)
        base = sid * N

        def body(j, carry):
            ids = idx_v[pl.ds(j * 16, 16)]
            msk = (ids >= base) & (ids < base + N)
            loc = jnp.where(msk, ids - base, 0)
            plsc.store_scatter(row_v, [loc], ones, mask=msk)
            return carry

        lax.fori_loop(0, FLAT // 16, body, 0)
        pltpu.sync_copy(row_v, out_hbm.at[sid])


@functools.cache
def _hm_scatter():
    mesh = plsc.VectorSubcoreMesh(core_axis_name="c", subcore_axis_name="s")
    return pl.kernel(
        _hm_body,
        out_type=jax.ShapeDtypeStruct((NUM_CLASSES, N), jnp.float32),
        mesh=mesh,
        scratch_types=[
            pltpu.VMEM((FLAT,), jnp.int32),
            pltpu.VMEM((N,), jnp.float32),
        ],
        compiler_params=pltpu.CompilerParams(needs_layout_passes=False),
    )


def kernel(gt_boxes, spatial_indices):
    vox = spatial_indices.astype(jnp.float32)
    vxh = vox[:, 0] + 0.5
    vyh = vox[:, 1] + 0.5
    pk = vox[:, 0] * 512.0 + vox[:, 1]
    zero_row = jnp.zeros((N,), jnp.float32)
    vp = jnp.stack([vxh, vyh, pk, zero_row, zero_row, zero_row, zero_row,
                    zero_row], axis=0)
    gt_pad = jnp.zeros((MP, 8), jnp.float32).at[:M].set(gt_boxes)

    cd, mask, inds, hmf, rb2d = _run_topk(gt_pad, vp)
    heatmap = _hm_scatter()(hmf.reshape(FLAT),
                            jnp.zeros((NUM_CLASSES, N), jnp.float32))
    ret_boxes = rb2d[:M].reshape(M, K, 8)
    return heatmap, ret_boxes, cd[:M], inds[:M], mask[:M]

# --- scband reference (transcript-rebuilt; emitter-appended) ---
"""Pipeline reference for scband-sparse-dynamic-head-56075093017291 (READ-ONLY COPY).

The authoritative reference and input builder live on the scoring server;
editing this copy changes nothing except your own understanding.
"""

import jax, jax.numpy as jnp
import numpy as np

NUM_CLASSES = 3
DYN_POS = 5
NUM_MAX_OBJS = 500
N_VOXELS = 65536
PC_RANGE = jnp.array([-75.2, -75.2, -2.0, 75.2, 75.2, 4.0], dtype=jnp.float32)
VOXEL_SIZE = jnp.array([0.1, 0.1, 0.15], dtype=jnp.float32)
STRIDE = 4.0
FEAT_W = 376.0
FEAT_H = 376.0


def setup_inputs(seed: int = 0) -> dict:
    key = jax.random.key(seed)
    k1, k2, k3, k4, k5, k6 = jax.random.split(key, 6)
    xy = jax.random.uniform(k1, (NUM_MAX_OBJS, 2), minval=-70.0, maxval=70.0, dtype=jnp.float32)
    z = jax.random.uniform(k2, (NUM_MAX_OBJS, 1), minval=-1.0, maxval=3.0, dtype=jnp.float32)
    sizes = jax.random.uniform(k3, (NUM_MAX_OBJS, 3), minval=1.0, maxval=5.0, dtype=jnp.float32)
    heading = jax.random.uniform(k4, (NUM_MAX_OBJS, 1), minval=-3.14, maxval=3.14, dtype=jnp.float32)
    cls = jax.random.randint(k5, (NUM_MAX_OBJS, 1), 1, NUM_CLASSES + 1).astype(jnp.float32)
    gt_boxes = jnp.concatenate([xy, z, sizes, heading, cls], axis=-1)
    spatial_indices = jax.random.randint(k6, (N_VOXELS, 2), 0, 376).astype(jnp.int32)
    return {"gt_boxes": gt_boxes, "spatial_indices": spatial_indices}


def _assign(gt_boxes, spatial_indices):
    # box validity mask (applied as weights instead of data-dependent filtering)
    valid = ((gt_boxes[:, 3] > 0) & (gt_boxes[:, 4] > 0) & (gt_boxes[:, 5] > 0)
             & (gt_boxes[:, 0] >= PC_RANGE[0]) & (gt_boxes[:, 1] >= PC_RANGE[1])
             & (gt_boxes[:, 0] < PC_RANGE[3]) & (gt_boxes[:, 1] < PC_RANGE[4])).astype(jnp.float32)
    x, y, z = gt_boxes[:, 0], gt_boxes[:, 1], gt_boxes[:, 2]
    coord_x = jnp.clip((x - PC_RANGE[0]) / VOXEL_SIZE[0] / STRIDE, 0.0, FEAT_W - 0.5)
    coord_y = jnp.clip((y - PC_RANGE[1]) / VOXEL_SIZE[1] / STRIDE, 0.0, FEAT_H - 0.5)
    center = jnp.stack([coord_x, coord_y], axis=-1)  # [M, 2]
    dx = gt_boxes[:, 3] / VOXEL_SIZE[0] / STRIDE
    dy = gt_boxes[:, 4] / VOXEL_SIZE[1] / STRIDE
    box_radius = jnp.sqrt((dx / 2.0) ** 2 + (dy / 2.0) ** 2)
    vox_f = spatial_indices.astype(jnp.float32)
    # manhattan_distance(spatial_indices.float() + 0.5, center) -> [M, N]
    distances = jnp.abs((vox_f + 0.5)[None, :, :] - center[:, None, :]).sum(-1)
    # torch.sort(dim=-1)[:, :DYN_POS]  == top-k smallest
    neg_vals, sort_inds = jax.lax.top_k(-distances, DYN_POS)
    sort_distance = -neg_vals
    mask = (sort_distance <= box_radius[:, None]).astype(jnp.float32)
    mask = mask.at[0].set(1.0)  # mask[:box_num][0] = True in original
    mask = mask * valid[:, None]
    center_distances = sort_distance * valid[:, None]
    gathered = vox_f[sort_inds]  # [M, DYN_POS, 2]
    off = center[:, None, :] - gathered - 0.5
    z_b = jnp.broadcast_to(z[:, None, None], (NUM_MAX_OBJS, DYN_POS, 1))
    size_b = jnp.broadcast_to(jnp.log(gt_boxes[:, None, 3:6]), (NUM_MAX_OBJS, DYN_POS, 3))
    cos_b = jnp.broadcast_to(jnp.cos(gt_boxes[:, None, 6:7]), (NUM_MAX_OBJS, DYN_POS, 1))
    sin_b = jnp.broadcast_to(jnp.sin(gt_boxes[:, None, 6:7]), (NUM_MAX_OBJS, DYN_POS, 1))
    ret_boxes = jnp.concatenate([off, z_b, size_b, cos_b, sin_b], axis=-1) * valid[:, None, None]
    cur_class_id = jnp.clip(gt_boxes[:, -1] - 1.0, 0, NUM_CLASSES - 1).astype(jnp.int32)
    hm_vals = jnp.broadcast_to(valid[:, None], (NUM_MAX_OBJS, DYN_POS))
    heatmap = jnp.zeros((NUM_CLASSES, N_VOXELS), dtype=jnp.float32)
    # heatmap[cur_class_id[:, None], sort_inds] = 1
    heatmap = heatmap.at[cur_class_id[:, None], sort_inds].max(hm_vals)
    inds = sort_inds * valid[:, None].astype(jnp.int32)
    return heatmap, ret_boxes, center_distances, inds, mask


def reference(gt_boxes, spatial_indices):
    return _assign(gt_boxes, spatial_indices)

if __name__ == "__main__":
    import jax
    _d = setup_inputs()
    print(jax.jit(kernel)(*tuple(_d.values())))

</pallas_src>

<mosaic_0001>
#map = affine_map<(d0, d1) -> (0)>
#map1 = affine_map<(d0, d1) -> (0, 0)>
module attributes {stable_mosaic.version = 14 : i64} {
  func.func @_hm_body(%arg0: i32, %arg1: i32, %arg2: memref<2560xi32, #tpu.memory_space<hbm>>, %arg3: memref<3x65536xf32, #tpu.memory_space<hbm>>, %arg4: memref<3x65536xf32, #tpu.memory_space<hbm>>, %arg5: memref<2560xi32, #tpu.memory_space<vmem>>, %arg6: memref<65536xf32, #tpu.memory_space<vmem>>) attributes {dimension_semantics = [#tpu.dimension_semantics<core_parallel>, #tpu.dimension_semantics<subcore_parallel>], iteration_bounds = array<i64: 2, 16>, scalar_prefetch = 0 : i64, scratch_operands = 2 : i64, tpu.core_type = #tpu.core_type<sc_vector_subcore>, window_params = [{transform_indices = #map}, {transform_indices = #map1}, {transform_indices = #map1}]} {
    %eq3A = arith.constant 0 : i32
    %eq3A_0 = arith.cmpi eq, %arg0, %eq3A : i32
    %lt3A = arith.constant 3 : i32
    %lt3A_1 = arith.cmpi slt, %arg1, %lt3A : i32
    %and3A = arith.andi %eq3A_0, %lt3A_1 : i1
    %convert_element_type3A = arith.extui %and3A : i1 to i32
    %cond3A = arith.constant 0 : i32
    %cond3A_2 = arith.cmpi ne, %convert_element_type3A, %cond3A : i32
    scf.if %cond3A_2 {
      "tpu.region"() ({
        %run_scoped3A = tpu.sem_alloc : memref<!tpu.dma_semaphore, #tpu.memory_space<semaphore_mem>>
        %dma_start3A = arith.constant 0 : i32
        %dma_start3A_10 = tpu.memref_slice %arg3[%arg1, %dma_start3A] : memref<3x65536xf32, #tpu.memory_space<hbm>> -> memref<1x65536xf32, #tpu.memory_space<hbm>>
        %dma_start3A_11 = tpu.memref_squeeze %dma_start3A_10 : memref<1x65536xf32, #tpu.memory_space<hbm>> -> memref<65536xf32, #tpu.memory_space<hbm>>
        %dma_start3A_12 = arith.constant 0 : i32
        %dma_start3A_13 = tpu.memref_slice %arg3[%arg1, %dma_start3A_12] : memref<3x65536xf32, #tpu.memory_space<hbm>> -> memref<1x65536xf32, #tpu.memory_space<hbm>>
        %dma_start3A_14 = tpu.memref_squeeze %dma_start3A_13 : memref<1x65536xf32, #tpu.memory_space<hbm>> -> memref<65536xf32, #tpu.memory_space<hbm>>
        tpu.enqueue_dma source(%dma_start3A_14 : memref<65536xf32, #tpu.memory_space<hbm>>) target(%arg6 : memref<65536xf32, #tpu.memory_space<vmem>>) target_semaphore(%run_scoped3A : memref<!tpu.dma_semaphore, #tpu.memory_space<semaphore_mem>>)
        %dma_wait3A = arith.constant 0 : i32
        %dma_wait3A_15 = tpu.memref_slice %arg3[%arg1, %dma_wait3A] : memref<3x65536xf32, #tpu.memory_space<hbm>> -> memref<1x65536xf32, #tpu.memory_space<hbm>>
        %dma_wait3A_16 = tpu.memref_squeeze %dma_wait3A_15 : memref<1x65536xf32, #tpu.memory_space<hbm>> -> memref<65536xf32, #tpu.memory_space<hbm>>
        %dma_wait3A_17 = arith.constant 0 : i32
        %dma_wait3A_18 = tpu.memref_slice %arg3[%arg1, %dma_wait3A_17] : memref<3x65536xf32, #tpu.memory_space<hbm>> -> memref<1x65536xf32, #tpu.memory_space<hbm>>
        %dma_wait3A_19 = tpu.memref_squeeze %dma_wait3A_18 : memref<1x65536xf32, #tpu.memory_space<hbm>> -> memref<65536xf32, #tpu.memory_space<hbm>>
        tpu.wait_dma2 semaphore(%run_scoped3A : memref<!tpu.dma_semaphore, #tpu.memory_space<semaphore_mem>>) src(%dma_wait3A_19 : memref<65536xf32, #tpu.memory_space<hbm>>) dst(%arg6 : memref<65536xf32, #tpu.memory_space<vmem>>)
        tpu.yield
      }) : () -> ()
      "tpu.region"() ({
        %run_scoped3A = tpu.sem_alloc : memref<!tpu.dma_semaphore, #tpu.memory_space<semaphore_mem>>
        tpu.enqueue_dma source(%arg2 : memref<2560xi32, #tpu.memory_space<hbm>>) target(%arg5 : memref<2560xi32, #tpu.memory_space<vmem>>) target_semaphore(%run_scoped3A : memref<!tpu.dma_semaphore, #tpu.memory_space<semaphore_mem>>)
        tpu.wait_dma2 semaphore(%run_scoped3A : memref<!tpu.dma_semaphore, #tpu.memory_space<semaphore_mem>>) src(%arg2 : memref<2560xi32, #tpu.memory_space<hbm>>) dst(%arg5 : memref<2560xi32, #tpu.memory_space<vmem>>)
        tpu.yield
      }) : () -> ()
      %broadcast_in_dim3A = arith.constant 1.000000e+00 : f32
      %broadcast_in_dim3A_3 = vector.broadcast %broadcast_in_dim3A : f32 to vector<16xf32>
      %mul3A = arith.constant 65536 : i32
      %mul3A_4 = arith.muli %arg1, %mul3A : i32
      %scan3A = arith.constant 0 : i32
      %scan3A_5 = arith.constant 0 : i32
      %scan3A_6 = arith.constant 160 : i32
      %scan3A_7 = arith.addi %scan3A_5, %scan3A_6 : i32
      %scan3A_8 = arith.constant 1 : i32
      scf.for %scan3A_10 = %scan3A_5 to %scan3A_7 step %scan3A_8  : i32 {
        %mul3A_11 = arith.constant 16 : i32
        %mul3A_12 = arith.muli %scan3A_10, %mul3A_11 : i32
        %get3A = arith.index_cast %mul3A_12 : i32 to index
        %get3A_13 = tpu.vector_load %arg5[%get3A] {strides = array<i32>} : memref<2560xi32, #tpu.memory_space<vmem>>, vector<16xi32>,
        %ge3A = vector.broadcast %mul3A_4 : i32 to vector<16xi32>
        %ge3A_14 = arith.cmpi sge, %get3A_13, %ge3A : vector<16xi32>
        %add3A = arith.constant 65536 : i32
        %add3A_15 = arith.addi %mul3A_4, %add3A : i32
        %lt3A_16 = vector.broadcast %add3A_15 : i32 to vector<16xi32>
        %lt3A_17 = arith.cmpi slt, %get3A_13, %lt3A_16 : vector<16xi32>
        %and3A_18 = arith.andi %ge3A_14, %lt3A_17 : vector<16xi1>
        %sub3A = vector.broadcast %mul3A_4 : i32 to vector<16xi32>
        %sub3A_19 = arith.subi %get3A_13, %sub3A : vector<16xi32>
        %jit3A = arith.constant 0 : i32
        %broadcast_in_dim3A_20 = vector.broadcast %jit3A : i32 to vector<16xi32>
        %select_n3A = arith.select %and3A_18, %sub3A_19, %broadcast_in_dim3A_20 : vector<16xi1>, vector<16xi32>
        tpu.vector_store_idx %arg6[%select_n3A], %broadcast_in_dim3A_3 masked %and3A_18 : memref<65536xf32, #tpu.memory_space<vmem>>[vector<16xi32>], vector<16xf32>, vector<16xi1>
      }
      %scan3A_9 = arith.constant 160 : i32
      "tpu.region"() ({
        %run_scoped3A = tpu.sem_alloc : memref<!tpu.dma_semaphore, #tpu.memory_space<semaphore_mem>>
        %dma_start3A = arith.constant 0 : i32
        %dma_start3A_10 = tpu.memref_slice %arg4[%arg1, %dma_start3A] : memref<3x65536xf32, #tpu.memory_space<hbm>> -> memref<1x65536xf32, #tpu.memory_space<hbm>>
        %dma_start3A_11 = tpu.memref_squeeze %dma_start3A_10 : memref<1x65536xf32, #tpu.memory_space<hbm>> -> memref<65536xf32, #tpu.memory_space<hbm>>
        %dma_start3A_12 = arith.constant 0 : i32
        %dma_start3A_13 = tpu.memref_slice %arg4[%arg1, %dma_start3A_12] : memref<3x65536xf32, #tpu.memory_space<hbm>> -> memref<1x65536xf32, #tpu.memory_space<hbm>>
        %dma_start3A_14 = tpu.memref_squeeze %dma_start3A_13 : memref<1x65536xf32, #tpu.memory_space<hbm>> -> memref<65536xf32, #tpu.memory_space<hbm>>
        tpu.enqueue_dma source(%arg6 : memref<65536xf32, #tpu.memory_space<vmem>>) target(%dma_start3A_14 : memref<65536xf32, #tpu.memory_space<hbm>>) target_semaphore(%run_scoped3A : memref<!tpu.dma_semaphore, #tpu.memory_space<semaphore_mem>>)
        %dma_wait3A = arith.constant 0 : i32
        %dma_wait3A_15 = tpu.memref_slice %arg4[%arg1, %dma_wait3A] : memref<3x65536xf32, #tpu.memory_space<hbm>> -> memref<1x65536xf32, #tpu.memory_space<hbm>>
        %dma_wait3A_16 = tpu.memref_squeeze %dma_wait3A_15 : memref<1x65536xf32, #tpu.memory_space<hbm>> -> memref<65536xf32, #tpu.memory_space<hbm>>
        %dma_wait3A_17 = arith.constant 0 : i32
        %dma_wait3A_18 = tpu.memref_slice %arg4[%arg1, %dma_wait3A_17] : memref<3x65536xf32, #tpu.memory_space<hbm>> -> memref<1x65536xf32, #tpu.memory_space<hbm>>
        %dma_wait3A_19 = tpu.memref_squeeze %dma_wait3A_18 : memref<1x65536xf32, #tpu.memory_space<hbm>> -> memref<65536xf32, #tpu.memory_space<hbm>>
        tpu.wait_dma2 semaphore(%run_scoped3A : memref<!tpu.dma_semaphore, #tpu.memory_space<semaphore_mem>>) src(%arg6 : memref<65536xf32, #tpu.memory_space<vmem>>) dst(%dma_wait3A_19 : memref<65536xf32, #tpu.memory_space<hbm>>)
        tpu.yield
      }) : () -> ()
    } else {
    }
    return
  }
}

module attributes {stable_mosaic.version = 14 : i64} {
  func.func @_topk_body(%arg0: i32, %arg1: memref<8x8xf32, #tpu.memory_space<vmem>>, %arg2: memref<8x65536xf32, #tpu.memory_space<vmem>>, %arg3: memref<8x5xf32, #tpu.memory_space<vmem>>, %arg4: memref<8x5xf32, #tpu.memory_space<vmem>>, %arg5: memref<8x5xi32, #tpu.memory_space<vmem>>, %arg6: memref<8x5xi32, #tpu.memory_space<vmem>>, %arg7: memref<8x40xf32, #tpu.memory_space<vmem>>, %arg8: memref<8x65536xf32, #tpu.memory_space<vmem>>) attributes {dimension_semantics = [#tpu.dimension_semantics<arbitrary>], iteration_bounds = array<i64: 64>, scalar_prefetch = 0 : i64, scratch_operands = 1 : i64, tpu.core_type = #tpu.core_type<tc>, window_params = [{transform_indices = @transform_0, window_bounds = array<i64: 8, 8>}, {pipeline_mode = #tpu.pipeline_mode<synchronous>, transform_indices = @transform_1, window_bounds = array<i64: 8, 65536>}, {transform_indices = @transform_2, window_bounds = array<i64: 8, 5>}, {transform_indices = @transform_3, window_bounds = array<i64: 8, 5>}, {transform_indices = @transform_4, window_bounds = array<i64: 8, 5>}, {transform_indices = @transform_5, window_bounds = array<i64: 8, 5>}, {transform_indices = @transform_6, window_bounds = array<i64: 8, 40>}]} {
    %get3A = arith.constant 0 : index
    %get3A_0 = arith.constant 0 : index
    %get3A_1 = vector.load %arg1[%get3A, %get3A_0] : memref<8x8xf32, #tpu.memory_space<vmem>>, vector<8x8xf32>
    %slice3A = vector.extract_strided_slice %get3A_1 {offsets = [0, 0], sizes = [8, 1], strides = [1, 1]} : vector<8x8xf32> to vector<8x1xf32>
    %slice3A_2 = vector.extract_strided_slice %get3A_1 {offsets = [0, 1], sizes = [8, 1], strides = [1, 1]} : vector<8x8xf32> to vector<8x1xf32>
    %slice3A_3 = vector.extract_strided_slice %get3A_1 {offsets = [0, 2], sizes = [8, 1], strides = [1, 1]} : vector<8x8xf32> to vector<8x1xf32>
    %slice3A_4 = vector.extract_strided_slice %get3A_1 {offsets = [0, 3], sizes = [8, 1], strides = [1, 1]} : vector<8x8xf32> to vector<8x1xf32>
    %slice3A_5 = vector.extract_strided_slice %get3A_1 {offsets = [0, 4], sizes = [8, 1], strides = [1, 1]} : vector<8x8xf32> to vector<8x1xf32>
    %slice3A_6 = vector.extract_strided_slice %get3A_1 {offsets = [0, 5], sizes = [8, 1], strides = [1, 1]} : vector<8x8xf32> to vector<8x1xf32>
    %slice3A_7 = vector.extract_strided_slice %get3A_1 {offsets = [0, 6], sizes = [8, 1], strides = [1, 1]} : vector<8x8xf32> to vector<8x1xf32>
    %slice3A_8 = vector.extract_strided_slice %get3A_1 {offsets = [0, 7], sizes = [8, 1], strides = [1, 1]} : vector<8x8xf32> to vector<8x1xf32>
    %gt3A = arith.constant 0.000000e+00 : f32
    %gt3A_9 = vector.broadcast %gt3A : f32 to vector<8x1xf32>
    %gt3A_10 = arith.cmpf ogt, %slice3A_4, %gt3A_9 : vector<8x1xf32>
    %gt3A_11 = arith.constant 0.000000e+00 : f32
    %gt3A_12 = vector.broadcast %gt3A_11 : f32 to vector<8x1xf32>
    %gt3A_13 = arith.cmpf ogt, %slice3A_5, %gt3A_12 : vector<8x1xf32>
    %and3A = arith.andi %gt3A_10, %gt3A_13 : vector<8x1xi1>
    %gt3A_14 = arith.constant 0.000000e+00 : f32
    %gt3A_15 = vector.broadcast %gt3A_14 : f32 to vector<8x1xf32>
    %gt3A_16 = arith.cmpf ogt, %slice3A_6, %gt3A_15 : vector<8x1xf32>
    %and3A_17 = arith.andi %and3A, %gt3A_16 : vector<8x1xi1>
    %ge3A = arith.constant -75.1999969 : f32
    %ge3A_18 = vector.broadcast %ge3A : f32 to vector<8x1xf32>
    %ge3A_19 = arith.cmpf oge, %slice3A, %ge3A_18 : vector<8x1xf32>
    %and3A_20 = arith.andi %and3A_17, %ge3A_19 : vector<8x1xi1>
    %ge3A_21 = arith.constant -75.1999969 : f32
    %ge3A_22 = vector.broadcast %ge3A_21 : f32 to vector<8x1xf32>
    %ge3A_23 = arith.cmpf oge, %slice3A_2, %ge3A_22 : vector<8x1xf32>
    %and3A_24 = arith.andi %and3A_20, %ge3A_23 : vector<8x1xi1>
    %lt3A = arith.constant 75.1999969 : f32
    %lt3A_25 = vector.broadcast %lt3A : f32 to vector<8x1xf32>
    %lt3A_26 = arith.cmpf olt, %slice3A, %lt3A_25 : vector<8x1xf32>
    %and3A_27 = arith.andi %and3A_24, %lt3A_26 : vector<8x1xi1>
    %lt3A_28 = arith.constant 75.1999969 : f32
    %lt3A_29 = vector.broadcast %lt3A_28 : f32 to vector<8x1xf32>
    %lt3A_30 = arith.cmpf olt, %slice3A_2, %lt3A_29 : vector<8x1xf32>
    %and3A_31 = arith.andi %and3A_27, %lt3A_30 : vector<8x1xi1>
    %convert_element_type3A = arith.extui %and3A_31 : vector<8x1xi1> to vector<8x1xi32>
    %convert_element_type3A_32 = arith.sitofp %convert_element_type3A : vector<8x1xi32> to vector<8x1xf32>
    %sub3A = arith.constant -75.1999969 : f32
    %sub3A_33 = vector.broadcast %sub3A : f32 to vector<8x1xf32>
    %sub3A_34 = arith.subf %slice3A, %sub3A_33 : vector<8x1xf32>
    %div3A = arith.constant 1.000000e-01 : f32
    %div3A_35 = vector.broadcast %div3A : f32 to vector<8x1xf32>
    %div3A_36 = arith.divf %sub3A_34, %div3A_35 : vector<8x1xf32>
    %div3A_37 = arith.constant 4.000000e+00 : f32
    %div3A_38 = vector.broadcast %div3A_37 : f32 to vector<8x1xf32>
    %div3A_39 = arith.divf %div3A_36, %div3A_38 : vector<8x1xf32>
    %jit3A = arith.constant 0.000000e+00 : f32
    %jit3A_40 = arith.constant 3.755000e+02 : f32
    %max3A = vector.broadcast %jit3A : f32 to vector<8x1xf32>
    %max3A_41 = arith.maximumf %max3A, %div3A_39 : vector<8x1xf32>
    %min3A = vector.broadcast %jit3A_40 : f32 to vector<8x1xf32>
    %min3A_42 = arith.minimumf %min3A, %max3A_41 : vector<8x1xf32>
    %sub3A_43 = arith.constant -75.1999969 : f32
    %sub3A_44 = vector.broadcast %sub3A_43 : f32 to vector<8x1xf32>
    %sub3A_45 = arith.subf %slice3A_2, %sub3A_44 : vector<8x1xf32>
    %div3A_46 = arith.constant 1.000000e-01 : f32
    %div3A_47 = vector.broadcast %div3A_46 : f32 to vector<8x1xf32>
    %div3A_48 = arith.divf %sub3A_45, %div3A_47 : vector<8x1xf32>
    %div3A_49 = arith.constant 4.000000e+00 : f32
    %div3A_50 = vector.broadcast %div3A_49 : f32 to vector<8x1xf32>
    %div3A_51 = arith.divf %div3A_48, %div3A_50 : vector<8x1xf32>
    %jit3A_52 = arith.constant 0.000000e+00 : f32
    %jit3A_53 = arith.constant 3.755000e+02 : f32
    %max3A_54 = vector.broadcast %jit3A_52 : f32 to vector<8x1xf32>
    %max3A_55 = arith.maximumf %max3A_54, %div3A_51 : vector<8x1xf32>
    %min3A_56 = vector.broadcast %jit3A_53 : f32 to vector<8x1xf32>
    %min3A_57 = arith.minimumf %min3A_56, %max3A_55 : vector<8x1xf32>
    %div3A_58 = arith.constant 1.000000e-01 : f32
    %div3A_59 = vector.broadcast %div3A_58 : f32 to vector<8x1xf32>
    %div3A_60 = arith.divf %slice3A_4, %div3A_59 : vector<8x1xf32>
    %div3A_61 = arith.constant 4.000000e+00 : f32
    %div3A_62 = vector.broadcast %div3A_61 : f32 to vector<8x1xf32>
    %div3A_63 = arith.divf %div3A_60, %div3A_62 : vector<8x1xf32>
    %div3A_64 = arith.constant 1.000000e-01 : f32
    %div3A_65 = vector.broadcast %div3A_64 : f32 to vector<8x1xf32>
    %div3A_66 = arith.divf %slice3A_5, %div3A_65 : vector<8x1xf32>
    %div3A_67 = arith.constant 4.000000e+00 : f32
    %div3A_68 = vector.broadcast %div3A_67 : f32 to vector<8x1xf32>
    %div3A_69 = arith.divf %div3A_66, %div3A_68 : vector<8x1xf32>
    %div3A_70 = arith.constant 2.000000e+00 : f32
    %div3A_71 = vector.broadcast %div3A_70 : f32 to vector<8x1xf32>
    %div3A_72 = arith.divf %div3A_63, %div3A_71 : vector<8x1xf32>
    %integer_pow3A = arith.mulf %div3A_72, %div3A_72 : vector<8x1xf32>
    %div3A_73 = arith.constant 2.000000e+00 : f32
    %div3A_74 = vector.broadcast %div3A_73 : f32 to vector<8x1xf32>
    %div3A_75 = arith.divf %div3A_69, %div3A_74 : vector<8x1xf32>
    %integer_pow3A_76 = arith.mulf %div3A_75, %div3A_75 : vector<8x1xf32>
    %add3A = arith.addf %integer_pow3A, %integer_pow3A_76 : vector<8x1xf32>
    %sqrt3A = math.sqrt %add3A : vector<8x1xf32>
    %get3A_77 = arith.constant 0 : index
    %get3A_78 = arith.constant 0 : index
    %get3A_79 = vector.load %arg2[%get3A_77, %get3A_78] : memref<8x65536xf32, #tpu.memory_space<vmem>>, vector<1x65536xf32>
    %get3A_80 = arith.constant 1 : index
    %get3A_81 = arith.constant 0 : index
    %get3A_82 = vector.load %arg2[%get3A_80, %get3A_81] : memref<8x65536xf32, #tpu.memory_space<vmem>>, vector<1x65536xf32>
    %get3A_83 = arith.constant 2 : index
    %get3A_84 = arith.constant 0 : index
    %get3A_85 = vector.load %arg2[%get3A_83, %get3A_84] : memref<8x65536xf32, #tpu.memory_space<vmem>>, vector<1x65536xf32>
    %sub3A_86 = vector.broadcast %get3A_79 : vector<1x65536xf32> to vector<8x65536xf32>
    %sub3A_87 = vector.broadcast %min3A_42 : vector<8x1xf32> to vector<8x65536xf32>
    %sub3A_88 = arith.subf %sub3A_86, %sub3A_87 : vector<8x65536xf32>
    %abs3A = math.absf %sub3A_88 : vector<8x65536xf32>
    %sub3A_89 = vector.broadcast %get3A_82 : vector<1x65536xf32> to vector<8x65536xf32>
    %sub3A_90 = vector.broadcast %min3A_57 : vector<8x1xf32> to vector<8x65536xf32>
    %sub3A_91 = arith.subf %sub3A_89, %sub3A_90 : vector<8x65536xf32>
    %abs3A_92 = math.absf %sub3A_91 : vector<8x65536xf32>
    %add3A_93 = arith.addf %abs3A, %abs3A_92 : vector<8x65536xf32>
    %swap3A = arith.constant 0 : index
    %swap3A_94 = arith.constant 0 : index
    %swap3A_95 = vector.load %arg8[%swap3A, %swap3A_94] : memref<8x65536xf32, #tpu.memory_space<vmem>>, vector<8x65536xf32>
    tpu.vector_store %arg8[%swap3A, %swap3A_94], %add3A_93 {strides = array<i32>} : memref<8x65536xf32, #tpu.memory_space<vmem>>, vector<8x65536xf32>,
    %iota3A = tpu.iota {dimensions = array<i32: 1>} : vector<8x65536xi32>
    %get3A_96 = arith.constant 0 : index
    %get3A_97 = arith.constant 0 : index
    %get3A_98 = vector.load %arg8[%get3A_96, %get3A_97] : memref<8x65536xf32, #tpu.memory_space<vmem>>, vector<8x65536xf32>
    %reduce_min3A = arith.constant dense<0x7F800000> : vector<8xf32>
    %reduce_min3A_99 = vector.multi_reduction <minimumf>, %get3A_98, %reduce_min3A [1] : vector<8x65536xf32> to vector<8xf32>
    %broadcast_in_dim3A = vector.shape_cast %reduce_min3A_99 : vector<8xf32> to vector<8x1xf32>
    %eq3A = vector.broadcast %broadcast_in_dim3A : vector<8x1xf32> to vector<8x65536xf32>
    %eq3A_100 = arith.cmpf oeq, %get3A_98, %eq3A : vector<8x65536xf32>
    %jit3A_101 = arith.constant 65536 : i32
    %broadcast_in_dim3A_102 = vector.broadcast %jit3A_101 : i32 to vector<8x65536xi32>
    %select_n3A = arith.select %eq3A_100, %iota3A, %broadcast_in_dim3A_102 : vector<8x65536xi1>, vector<8x65536xi32>
    %reduce_min3A_103 = arith.constant dense<2147483647> : vector<8xi32>
    %reduce_min3A_104 = vector.multi_reduction <minsi>, %select_n3A, %reduce_min3A_103 [1] : vector<8x65536xi32> to vector<8xi32>
    %broadcast_in_dim3A_105 = vector.shape_cast %reduce_min3A_104 : vector<8xi32> to vector<8x1xi32>
    %eq3A_106 = vector.broadcast %broadcast_in_dim3A_105 : vector<8x1xi32> to vector<8x65536xi32>
    %eq3A_107 = arith.cmpi eq, %iota3A, %eq3A_106 : vector<8x65536xi32>
    %jit3A_108 = arith.constant 0.000000e+00 : f32
    %broadcast_in_dim3A_109 = vector.shape_cast %get3A_85 : vector<1x65536xf32> to vector<1x65536xf32>
    %broadcast_in_dim3A_110 = vector.broadcast %broadcast_in_dim3A_109 : vector<1x65536xf32> to vector<8x65536xf32>
    %broadcast_in_dim3A_111 = vector.broadcast %jit3A_108 : f32 to vector<8x65536xf32>
    %select_n3A_112 = arith.select %eq3A_107, %broadcast_in_dim3A_110, %broadcast_in_dim3A_111 : vector<8x65536xi1>, vector<8x65536xf32>
    %reduce_sum3A = arith.constant dense<0.000000e+00> : vector<8xf32>
    %reduce_sum3A_113 = vector.multi_reduction <add>, %select_n3A_112, %reduce_sum3A [1] : vector<8x65536xf32> to vector<8xf32>
    %broadcast_in_dim3A_114 = vector.shape_cast %reduce_sum3A_113 : vector<8xf32> to vector<8x1xf32>
    %jit3A_115 = arith.constant 0x7F800000 : f32
    %broadcast_in_dim3A_116 = vector.broadcast %jit3A_115 : f32 to vector<8x65536xf32>
    %select_n3A_117 = arith.select %eq3A_107, %broadcast_in_dim3A_116, %get3A_98 : vector<8x65536xi1>, vector<8x65536xf32>
    %swap3A_118 = arith.constant 0 : index
    %swap3A_119 = arith.constant 0 : index
    %swap3A_120 = vector.load %arg8[%swap3A_118, %swap3A_119] : memref<8x65536xf32, #tpu.memory_space<vmem>>, vector<8x65536xf32>
    tpu.vector_store %arg8[%swap3A_118, %swap3A_119], %select_n3A_117 {strides = array<i32>} : memref<8x65536xf32, #tpu.memory_space<vmem>>, vector<8x65536xf32>,
    %get3A_121 = arith.constant 0 : index
    %get3A_122 = arith.constant 0 : index
    %get3A_123 = vector.load %arg8[%get3A_121, %get3A_122] : memref<8x65536xf32, #tpu.memory_space<vmem>>, vector<8x65536xf32>
    %reduce_min3A_124 = arith.constant dense<0x7F800000> : vector<8xf32>
    %reduce_min3A_125 = vector.multi_reduction <minimumf>, %get3A_123, %reduce_min3A_124 [1] : vector<8x65536xf32> to vector<8xf32>
    %broadcast_in_dim3A_126 = vector.shape_cast %reduce_min3A_125 : vector<8xf32> to vector<8x1xf32>
    %eq3A_127 = vector.broadcast %broadcast_in_dim3A_126 : vector<8x1xf32> to vector<8x65536xf32>
    %eq3A_128 = arith.cmpf oeq, %get3A_123, %eq3A_127 : vector<8x65536xf32>
    %jit3A_129 = arith.constant 65536 : i32
    %broadcast_in_dim3A_130 = vector.broadcast %jit3A_129 : i32 to vector<8x65536xi32>
    %select_n3A_131 = arith.select %eq3A_128, %iota3A, %broadcast_in_dim3A_130 : vector<8x65536xi1>, vector<8x65536xi32>
    %reduce_min3A_132 = arith.constant dense<2147483647> : vector<8xi32>
    %reduce_min3A_133 = vector.multi_reduction <minsi>, %select_n3A_131, %reduce_min3A_132 [1] : vector<8x65536xi32> to vector<8xi32>
    %broadcast_in_dim3A_134 = vector.shape_cast %reduce_min3A_133 : vector<8xi32> to vector<8x1xi32>
    %eq3A_135 = vector.broadcast %broadcast_in_dim3A_134 : vector<8x1xi32> to vector<8x65536xi32>
    %eq3A_136 = arith.cmpi eq, %iota3A, %eq3A_135 : vector<8x65536xi32>
    %jit3A_137 = arith.constant 0.000000e+00 : f32
    %broadcast_in_dim3A_138 = vector.shape_cast %get3A_85 : vector<1x65536xf32> to vector<1x65536xf32>
    %broadcast_in_dim3A_139 = vector.broadcast %broadcast_in_dim3A_138 : vector<1x65536xf32> to vector<8x65536xf32>
    %broadcast_in_dim3A_140 = vector.broadcast %jit3A_137 : f32 to vector<8x65536xf32>
    %select_n3A_141 = arith.select %eq3A_136, %broadcast_in_dim3A_139, %broadcast_in_dim3A_140 : vector<8x65536xi1>, vector<8x65536xf32>
    %reduce_sum3A_142 = arith.constant dense<0.000000e+00> : vector<8xf32>
    %reduce_sum3A_143 = vector.multi_reduction <add>, %select_n3A_141, %reduce_sum3A_142 [1] : vector<8x65536xf32> to vector<8xf32>
    %broadcast_in_dim3A_144 = vector.shape_cast %reduce_sum3A_143 : vector<8xf32> to vector<8x1xf32>
    %jit3A_145 = arith.constant 0x7F800000 : f32
    %broadcast_in_dim3A_146 = vector.broadcast %jit3A_145 : f32 to vector<8x65536xf32>
    %select_n3A_147 = arith.select %eq3A_136, %broadcast_in_dim3A_146, %get3A_123 : vector<8x65536xi1>, vector<8x65536xf32>
    %swap3A_148 = arith.constant 0 : index
    %swap3A_149 = arith.constant 0 : index
    %swap3A_150 = vector.load %arg8[%swap3A_148, %swap3A_149] : memref<8x65536xf32, #tpu.memory_space<vmem>>, vector<8x65536xf32>
    tpu.vector_store %arg8[%swap3A_148, %swap3A_149], %select_n3A_147 {strides = array<i32>} : memref<8x65536xf32, #tpu.memory_space<vmem>>, vector<8x65536xf32>,
    %get3A_151 = arith.constant 0 : index
    %get3A_152 = arith.constant 0 : index
    %get3A_153 = vector.load %arg8[%get3A_151, %get3A_152] : memref<8x65536xf32, #tpu.memory_space<vmem>>, vector<8x65536xf32>
    %reduce_min3A_154 = arith.constant dense<0x7F800000> : vector<8xf32>
    %reduce_min3A_155 = vector.multi_reduction <minimumf>, %get3A_153, %reduce_min3A_154 [1] : vector<8x65536xf32> to vector<8xf32>
    %broadcast_in_dim3A_156 = vector.shape_cast %reduce_min3A_155 : vector<8xf32> to vector<8x1xf32>
    %eq3A_157 = vector.broadcast %broadcast_in_dim3A_156 : vector<8x1xf32> to vector<8x65536xf32>
    %eq3A_158 = arith.cmpf oeq, %get3A_153, %eq3A_157 : vector<8x65536xf32>
    %jit3A_159 = arith.constant 65536 : i32
    %broadcast_in_dim3A_160 = vector.broadcast %jit3A_159 : i32 to vector<8x65536xi32>
    %select_n3A_161 = arith.select %eq3A_158, %iota3A, %broadcast_in_dim3A_160 : vector<8x65536xi1>, vector<8x65536xi32>
    %reduce_min3A_162 = arith.constant dense<2147483647> : vector<8xi32>
    %reduce_min3A_163 = vector.multi_reduction <minsi>, %select_n3A_161, %reduce_min3A_162 [1] : vector<8x65536xi32> to vector<8xi32>
    %broadcast_in_dim3A_164 = vector.shape_cast %reduce_min3A_163 : vector<8xi32> to vector<8x1xi32>
    %eq3A_165 = vector.broadcast %broadcast_in_dim3A_164 : vector<8x1xi32> to vector<8x65536xi32>
    %eq3A_166 = arith.cmpi eq, %iota3A, %eq3A_165 : vector<8x65536xi32>
    %jit3A_167 = arith.constant 0.000000e+00 : f32
    %broadcast_in_dim3A_168 = vector.shape_cast %get3A_85 : vector<1x65536xf32> to vector<1x65536xf32>
    %broadcast_in_dim3A_169 = vector.broadcast %broadcast_in_dim3A_168 : vector<1x65536xf32> to vector<8x65536xf32>
    %broadcast_in_dim3A_170 = vector.broadcast %jit3A_167 : f32 to vector<8x65536xf32>
    %select_n3A_171 = arith.select %eq3A_166, %broadcast_in_dim3A_169, %broadcast_in_dim3A_170 : vector<8x65536xi1>, vector<8x65536xf32>
    %reduce_sum3A_172 = arith.constant dense<0.000000e+00> : vector<8xf32>
    %reduce_sum3A_173 = vector.multi_reduction <add>, %select_n3A_171, %reduce_sum3A_172 [1] : vector<8x65536xf32> to vector<8xf32>
    %broadcast_in_dim3A_174 = vector.shape_cast %reduce_sum3A_173 : vector<8xf32> to vector<8x1xf32>
    %jit3A_175 = arith.constant 0x7F800000 : f32
    %broadcast_in_dim3A_176 = vector.broadcast %jit3A_175 : f32 to vector<8x65536xf32>
    %select_n3A_177 = arith.select %eq3A_166, %broadcast_in_dim3A_176, %get3A_153 : vector<8x65536xi1>, vector<8x65536xf32>
    %swap3A_178 = arith.constant 0 : index
    %swap3A_179 = arith.constant 0 : index
    %swap3A_180 = vector.load %arg8[%swap3A_178, %swap3A_179] : memref<8x65536xf32, #tpu.memory_space<vmem>>, vector<8x65536xf32>
    tpu.vector_store %arg8[%swap3A_178, %swap3A_179], %select_n3A_177 {strides = array<i32>} : memref<8x65536xf32, #tpu.memory_space<vmem>>, vector<8x65536xf32>,
    %get3A_181 = arith.constant 0 : index
    %get3A_182 = arith.constant 0 : index
    %get3A_183 = vector.load %arg8[%get3A_181, %get3A_182] : memref<8x65536xf32, #tpu.memory_space<vmem>>, vector<8x65536xf32>
    %reduce_min3A_184 = arith.constant dense<0x7F800000> : vector<8xf32>
    %reduce_min3A_185 = vector.multi_reduction <minimumf>, %get3A_183, %reduce_min3A_184 [1] : vector<8x65536xf32> to vector<8xf32>
    %broadcast_in_dim3A_186 = vector.shape_cast %reduce_min3A_185 : vector<8xf32> to vector<8x1xf32>
    %eq3A_187 = vector.broadcast %broadcast_in_dim3A_186 : vector<8x1xf32> to vector<8x65536xf32>
    %eq3A_188 = arith.cmpf oeq, %get3A_183, %eq3A_187 : vector<8x65536xf32>
    %jit3A_189 = arith.constant 65536 : i32
    %broadcast_in_dim3A_190 = vector.broadcast %jit3A_189 : i32 to vector<8x65536xi32>
    %select_n3A_191 = arith.select %eq3A_188, %iota3A, %broadcast_in_dim3A_190 : vector<8x65536xi1>, vector<8x65536xi32>
    %reduce_min3A_192 = arith.constant dense<2147483647> : vector<8xi32>
    %reduce_min3A_193 = vector.multi_reduction <minsi>, %select_n3A_191, %reduce_min3A_192 [1] : vector<8x65536xi32> to vector<8xi32>
    %broadcast_in_dim3A_194 = vector.shape_cast %reduce_min3A_193 : vector<8xi32> to vector<8x1xi32>
    %eq3A_195 = vector.broadcast %broadcast_in_dim3A_194 : vector<8x1xi32> to vector<8x65536xi32>
    %eq3A_196 = arith.cmpi eq, %iota3A, %eq3A_195 : vector<8x65536xi32>
    %jit3A_197 = arith.constant 0.000000e+00 : f32
    %broadcast_in_dim3A_198 = vector.shape_cast %get3A_85 : vector<1x65536xf32> to vector<1x65536xf32>
    %broadcast_in_dim3A_199 = vector.broadcast %broadcast_in_dim3A_198 : vector<1x65536xf32> to vector<8x65536xf32>
    %broadcast_in_dim3A_200 = vector.broadcast %jit3A_197 : f32 to vector<8x65536xf32>
    %select_n3A_201 = arith.select %eq3A_196, %broadcast_in_dim3A_199, %broadcast_in_dim3A_200 : vector<8x65536xi1>, vector<8x65536xf32>
    %reduce_sum3A_202 = arith.constant dense<0.000000e+00> : vector<8xf32>
    %reduce_sum3A_203 = vector.multi_reduction <add>, %select_n3A_201, %reduce_sum3A_202 [1] : vector<8x65536xf32> to vector<8xf32>
    %broadcast_in_dim3A_204 = vector.shape_cast %reduce_sum3A_203 : vector<8xf32> to vector<8x1xf32>
    %jit3A_205 = arith.constant 0x7F800000 : f32
    %broadcast_in_dim3A_206 = vector.broadcast %jit3A_205 : f32 to vector<8x65536xf32>
    %select_n3A_207 = arith.select %eq3A_196, %broadcast_in_dim3A_206, %get3A_183 : vector<8x65536xi1>, vector<8x65536xf32>
    %swap3A_208 = arith.constant 0 : index
    %swap3A_209 = arith.constant 0 : index
    %swap3A_210 = vector.load %arg8[%swap3A_208, %swap3A_209] : memref<8x65536xf32, #tpu.memory_space<vmem>>, vector<8x65536xf32>
    tpu.vector_store %arg8[%swap3A_208, %swap3A_209], %select_n3A_207 {strides = array<i32>} : memref<8x65536xf32, #tpu.memory_space<vmem>>, vector<8x65536xf32>,
    %get3A_211 = arith.constant 0 : index
    %get3A_212 = arith.constant 0 : index
    %get3A_213 = vector.load %arg8[%get3A_211, %get3A_212] : memref<8x65536xf32, #tpu.memory_space<vmem>>, vector<8x65536xf32>
    %reduce_min3A_214 = arith.constant dense<0x7F800000> : vector<8xf32>
    %reduce_min3A_215 = vector.multi_reduction <minimumf>, %get3A_213, %reduce_min3A_214 [1] : vector<8x65536xf32> to vector<8xf32>
    %broadcast_in_dim3A_216 = vector.shape_cast %reduce_min3A_215 : vector<8xf32> to vector<8x1xf32>
    %eq3A_217 = vector.broadcast %broadcast_in_dim3A_216 : vector<8x1xf32> to vector<8x65536xf32>
    %eq3A_218 = arith.cmpf oeq, %get3A_213, %eq3A_217 : vector<8x65536xf32>
    %jit3A_219 = arith.constant 65536 : i32
    %broadcast_in_dim3A_220 = vector.broadcast %jit3A_219 : i32 to vector<8x65536xi32>
    %select_n3A_221 = arith.select %eq3A_218, %iota3A, %broadcast_in_dim3A_220 : vector<8x65536xi1>, vector<8x65536xi32>
    %reduce_min3A_222 = arith.constant dense<2147483647> : vector<8xi32>
    %reduce_min3A_223 = vector.multi_reduction <minsi>, %select_n3A_221, %reduce_min3A_222 [1] : vector<8x65536xi32> to vector<8xi32>
    %broadcast_in_dim3A_224 = vector.shape_cast %reduce_min3A_223 : vector<8xi32> to vector<8x1xi32>
    %eq3A_225 = vector.broadcast %broadcast_in_dim3A_224 : vector<8x1xi32> to vector<8x65536xi32>
    %eq3A_226 = arith.cmpi eq, %iota3A, %eq3A_225 : vector<8x65536xi32>
    %jit3A_227 = arith.constant 0.000000e+00 : f32
    %broadcast_in_dim3A_228 = vector.shape_cast %get3A_85 : vector<1x65536xf32> to vector<1x65536xf32>
    %broadcast_in_dim3A_229 = vector.broadcast %broadcast_in_dim3A_228 : vector<1x65536xf32> to vector<8x65536xf32>
    %broadcast_in_dim3A_230 = vector.broadcast %jit3A_227 : f32 to vector<8x65536xf32>
    %select_n3A_231 = arith.select %eq3A_226, %broadcast_in_dim3A_229, %broadcast_in_dim3A_230 : vector<8x65536xi1>, vector<8x65536xf32>
    %reduce_sum3A_232 = arith.constant dense<0.000000e+00> : vector<8xf32>
    %reduce_sum3A_233 = vector.multi_reduction <add>, %select_n3A_231, %reduce_sum3A_232 [1] : vector<8x65536xf32> to vector<8xf32>
    %broadcast_in_dim3A_234 = vector.shape_cast %reduce_sum3A_233 : vector<8xf32> to vector<8x1xf32>
    %jit3A_235 = arith.constant 0x7F800000 : f32
    %broadcast_in_dim3A_236 = vector.broadcast %jit3A_235 : f32 to vector<8x65536xf32>
    %select_n3A_237 = arith.select %eq3A_226, %broadcast_in_dim3A_236, %get3A_213 : vector<8x65536xi1>, vector<8x65536xf32>
    %swap3A_238 = arith.constant 0 : index
    %swap3A_239 = arith.constant 0 : index
    %swap3A_240 = vector.load %arg8[%swap3A_238, %swap3A_239] : memref<8x65536xf32, #tpu.memory_space<vmem>>, vector<8x65536xf32>
    tpu.vector_store %arg8[%swap3A_238, %swap3A_239], %select_n3A_237 {strides = array<i32>} : memref<8x65536xf32, #tpu.memory_space<vmem>>, vector<8x65536xf32>,
    %concatenate3A = tpu.concatenate %broadcast_in_dim3A, %broadcast_in_dim3A_126, %broadcast_in_dim3A_156, %broadcast_in_dim3A_186, %broadcast_in_dim3A_216 in 1 : vector<8x1xf32>, vector<8x1xf32>, vector<8x1xf32>, vector<8x1xf32>, vector<8x1xf32> -> vector<8x5xf32>
    %concatenate3A_241 = tpu.concatenate %broadcast_in_dim3A_105, %broadcast_in_dim3A_134, %broadcast_in_dim3A_164, %broadcast_in_dim3A_194, %broadcast_in_dim3A_224 in 1 : vector<8x1xi32>, vector<8x1xi32>, vector<8x1xi32>, vector<8x1xi32>, vector<8x1xi32> -> vector<8x5xi32>
    %concatenate3A_242 = tpu.concatenate %broadcast_in_dim3A_114, %broadcast_in_dim3A_144, %broadcast_in_dim3A_174, %broadcast_in_dim3A_204, %broadcast_in_dim3A_234 in 1 : vector<8x1xf32>, vector<8x1xf32>, vector<8x1xf32>, vector<8x1xf32>, vector<8x1xf32> -> vector<8x5xf32>
    %mul3A = vector.broadcast %convert_element_type3A_32 : vector<8x1xf32> to vector<8x5xf32>
    %mul3A_243 = arith.mulf %concatenate3A, %mul3A : vector<8x5xf32>
    %swap3A_244 = arith.constant 0 : index
    %swap3A_245 = arith.constant 0 : index
    %swap3A_246 = vector.load %arg3[%swap3A_244, %swap3A_245] : memref<8x5xf32, #tpu.memory_space<vmem>>, vector<8x5xf32>
    tpu.vector_store %arg3[%swap3A_244, %swap3A_245], %mul3A_243 {strides = array<i32>} : memref<8x5xf32, #tpu.memory_space<vmem>>, vector<8x5xf32>,
    %iota3A_247 = tpu.iota {dimensions = array<i32: 0>} : vector<8x5xi32>
    %mul3A_248 = arith.constant 8 : i32
    %mul3A_249 = arith.muli %arg0, %mul3A_248 : i32
    %add3A_250 = vector.broadcast %mul3A_249 : i32 to vector<8x5xi32>
    %add3A_251 = arith.addi %iota3A_247, %add3A_250 : vector<8x5xi32>
    %le3A = vector.broadcast %sqrt3A : vector<8x1xf32> to vector<8x5xf32>
    %le3A_252 = arith.cmpf ole, %concatenate3A, %le3A : vector<8x5xf32>
    %convert_element_type3A_253 = arith.extui %le3A_252 : vector<8x5xi1> to vector<8x5xi32>
    %convert_element_type3A_254 = arith.sitofp %convert_element_type3A_253 : vector<8x5xi32> to vector<8x5xf32>
    %eq3A_255 = arith.constant 0 : i32
    %eq3A_256 = vector.broadcast %eq3A_255 : i32 to vector<8x5xi32>
    %eq3A_257 = arith.cmpi eq, %add3A_251, %eq3A_256 : vector<8x5xi32>
    %jit3A_258 = arith.constant 1.000000e+00 : f32
    %broadcast_in_dim3A_259 = vector.broadcast %jit3A_258 : f32 to vector<8x5xf32>
    %select_n3A_260 = arith.select %eq3A_257, %broadcast_in_dim3A_259, %convert_element_type3A_254 : vector<8x5xi1>, vector<8x5xf32>
    %mul3A_261 = vector.broadcast %convert_element_type3A_32 : vector<8x1xf32> to vector<8x5xf32>
    %mul3A_262 = arith.mulf %select_n3A_260, %mul3A_261 : vector<8x5xf32>
    %swap3A_263 = arith.constant 0 : index
    %swap3A_264 = arith.constant 0 : index
    %swap3A_265 = vector.load %arg4[%swap3A_263, %swap3A_264] : memref<8x5xf32, #tpu.memory_space<vmem>>, vector<8x5xf32>
    tpu.vector_store %arg4[%swap3A_263, %swap3A_264], %mul3A_262 {strides = array<i32>} : memref<8x5xf32, #tpu.memory_space<vmem>>, vector<8x5xf32>,
    %convert_element_type3A_266 = arith.fptosi %convert_element_type3A_32 : vector<8x1xf32> to vector<8x1xi32>
    %mul3A_267 = vector.broadcast %convert_element_type3A_266 : vector<8x1xi32> to vector<8x5xi32>
    %mul3A_268 = arith.muli %concatenate3A_241, %mul3A_267 : vector<8x5xi32>
    %swap3A_269 = arith.constant 0 : index
    %swap3A_270 = arith.constant 0 : index
    %swap3A_271 = vector.load %arg5[%swap3A_269, %swap3A_270] : memref<8x5xi32, #tpu.memory_space<vmem>>, vector<8x5xi32>
    tpu.vector_store %arg5[%swap3A_269, %swap3A_270], %mul3A_268 {strides = array<i32>} : memref<8x5xi32, #tpu.memory_space<vmem>>, vector<8x5xi32>,
    %sub3A_272 = arith.constant 1.000000e+00 : f32
    %sub3A_273 = vector.broadcast %sub3A_272 : f32 to vector<8x1xf32>
    %sub3A_274 = arith.subf %slice3A_8, %sub3A_273 : vector<8x1xf32>
    %jit3A_275 = arith.constant 0.000000e+00 : f32
    %jit3A_276 = arith.constant 2.000000e+00 : f32
    %max3A_277 = vector.broadcast %jit3A_275 : f32 to vector<8x1xf32>
    %max3A_278 = arith.maximumf %max3A_277, %sub3A_274 : vector<8x1xf32>
    %min3A_279 = vector.broadcast %jit3A_276 : f32 to vector<8x1xf32>
    %min3A_280 = arith.minimumf %min3A_279, %max3A_278 : vector<8x1xf32>
    %convert_element_type3A_281 = arith.fptosi %min3A_280 : vector<8x1xf32> to vector<8x1xi32>
    %mul3A_282 = arith.constant 65536 : i32
    %mul3A_283 = vector.broadcast %mul3A_282 : i32 to vector<8x1xi32>
    %mul3A_284 = arith.muli %convert_element_type3A_281, %mul3A_283 : vector<8x1xi32>
    %add3A_285 = vector.broadcast %mul3A_284 : vector<8x1xi32> to vector<8x5xi32>
    %add3A_286 = arith.addi %add3A_285, %concatenate3A_241 : vector<8x5xi32>
    %jit3A_287 = arith.constant 196608 : i32
    %broadcast_in_dim3A_288 = vector.shape_cast %and3A_31 : vector<8x1xi1> to vector<8x1xi1>
    %broadcast_in_dim3A_289 = vector.broadcast %broadcast_in_dim3A_288 : vector<8x1xi1> to vector<8x5xi1>
    %broadcast_in_dim3A_290 = vector.broadcast %jit3A_287 : i32 to vector<8x5xi32>
    %select_n3A_291 = arith.select %broadcast_in_dim3A_289, %add3A_286, %broadcast_in_dim3A_290 : vector<8x5xi1>, vector<8x5xi32>
    %swap3A_292 = arith.constant 0 : index
    %swap3A_293 = arith.constant 0 : index
    %swap3A_294 = vector.load %arg6[%swap3A_292, %swap3A_293] : memref<8x5xi32, #tpu.memory_space<vmem>>, vector<8x5xi32>
    tpu.vector_store %arg6[%swap3A_292, %swap3A_293], %select_n3A_291 {strides = array<i32>} : memref<8x5xi32, #tpu.memory_space<vmem>>, vector<8x5xi32>,
    %mul3A_295 = arith.constant 0.001953125 : f32
    %mul3A_296 = vector.broadcast %mul3A_295 : f32 to vector<8x5xf32>
    %mul3A_297 = arith.mulf %concatenate3A_242, %mul3A_296 : vector<8x5xf32>
    %floor3A = math.floor %mul3A_297 : vector<8x5xf32>
    %mul3A_298 = arith.constant 5.120000e+02 : f32
    %mul3A_299 = vector.broadcast %mul3A_298 : f32 to vector<8x5xf32>
    %mul3A_300 = arith.mulf %floor3A, %mul3A_299 : vector<8x5xf32>
    %sub3A_301 = arith.subf %concatenate3A_242, %mul3A_300 : vector<8x5xf32>
    %sub3A_302 = vector.broadcast %min3A_42 : vector<8x1xf32> to vector<8x5xf32>
    %sub3A_303 = arith.subf %sub3A_302, %floor3A : vector<8x5xf32>
    %sub3A_304 = arith.constant 5.000000e-01 : f32
    %sub3A_305 = vector.broadcast %sub3A_304 : f32 to vector<8x5xf32>
    %sub3A_306 = arith.subf %sub3A_303, %sub3A_305 : vector<8x5xf32>
    %sub3A_307 = vector.broadcast %min3A_57 : vector<8x1xf32> to vector<8x5xf32>
    %sub3A_308 = arith.subf %sub3A_307, %sub3A_301 : vector<8x5xf32>
    %sub3A_309 = arith.constant 5.000000e-01 : f32
    %sub3A_310 = vector.broadcast %sub3A_309 : f32 to vector<8x5xf32>
    %sub3A_311 = arith.subf %sub3A_308, %sub3A_310 : vector<8x5xf32>
    %log3A = math.log %slice3A_4 : vector<8x1xf32>
    %log3A_312 = math.log %slice3A_5 : vector<8x1xf32>
    %log3A_313 = math.log %slice3A_6 : vector<8x1xf32>
    %cos3A = math.cos %slice3A_7 : vector<8x1xf32>
    %sin3A = math.sin %slice3A_7 : vector<8x1xf32>
    %slice3A_314 = vector.extract_strided_slice %sub3A_306 {offsets = [0, 0], sizes = [8, 1], strides = [1, 1]} : vector<8x5xf32> to vector<8x1xf32>
    %slice3A_315 = vector.extract_strided_slice %sub3A_311 {offsets = [0, 0], sizes = [8, 1], strides = [1, 1]} : vector<8x5xf32> to vector<8x1xf32>
    %slice3A_316 = vector.extract_strided_slice %sub3A_306 {offsets = [0, 1], sizes = [8, 1], strides = [1, 1]} : vector<8x5xf32> to vector<8x1xf32>
    %slice3A_317 = vector.extract_strided_slice %sub3A_311 {offsets = [0, 1], sizes = [8, 1], strides = [1, 1]} : vector<8x5xf32> to vector<8x1xf32>
    %slice3A_318 = vector.extract_strided_slice %sub3A_306 {offsets = [0, 2], sizes = [8, 1], strides = [1, 1]} : vector<8x5xf32> to vector<8x1xf32>
    %slice3A_319 = vector.extract_strided_slice %sub3A_311 {offsets = [0, 2], sizes = [8, 1], strides = [1, 1]} : vector<8x5xf32> to vector<8x1xf32>
    %slice3A_320 = vector.extract_strided_slice %sub3A_306 {offsets = [0, 3], sizes = [8, 1], strides = [1, 1]} : vector<8x5xf32> to vector<8x1xf32>
    %slice3A_321 = vector.extract_strided_slice %sub3A_311 {offsets = [0, 3], sizes = [8, 1], strides = [1, 1]} : vector<8x5xf32> to vector<8x1xf32>
    %slice3A_322 = vector.extract_strided_slice %sub3A_306 {offsets = [0, 4], sizes = [8, 1], strides = [1, 1]} : vector<8x5xf32> to vector<8x1xf32>
    %slice3A_323 = vector.extract_strided_slice %sub3A_311 {offsets = [0, 4], sizes = [8, 1], strides = [1, 1]} : vector<8x5xf32> to vector<8x1xf32>
    %concatenate3A_324 = tpu.concatenate %slice3A_314, %slice3A_315, %slice3A_3, %log3A, %log3A_312, %log3A_313, %cos3A, %sin3A, %slice3A_316, %slice3A_317, %slice3A_3, %log3A, %log3A_312, %log3A_313, %cos3A, %sin3A, %slice3A_318, %slice3A_319, %slice3A_3, %log3A, %log3A_312, %log3A_313, %cos3A, %sin3A, %slice3A_320, %slice3A_321, %slice3A_3, %log3A, %log3A_312, %log3A_313, %cos3A, %sin3A, %slice3A_322, %slice3A_323, %slice3A_3, %log3A, %log3A_312, %log3A_313, %cos3A, %sin3A in 1 : vector<8x1xf32>, vector<8x1xf32>, vector<8x1xf32>, vector<8x1xf32>, vector<8x1xf32>, vector<8x1xf32>, vector<8x1xf32>, vector<8x1xf32>, vector<8x1xf32>, vector<8x1xf32>, vector<8x1xf32>, vector<8x1xf32>, vector<8x1xf32>, vector<8x1xf32>, vector<8x1xf32>, vector<8x1xf32>, vector<8x1xf32>, vector<8x1xf32>, vector<8x1xf32>, vector<8x1xf32>, vector<8x1xf32>, vector<8x1xf32>, vector<8x1xf32>, vector<8x1xf32>, vector<8x1xf32>, vector<8x1xf32>, vector<8x1xf32>, vector<8x1xf32>, vector<8x1xf32>, vector<8x1xf32>, vector<8x1xf32>, vector<8x1xf32>, vector<8x1xf32>, vector<8x1xf32>, vector<8x1xf32>, vector<8x1xf32>, vector<8x1xf32>, vector<8x1xf32>, vector<8x1xf32>, vector<8x1xf32> -> vector<8x40xf32>
    %mul3A_325 = vector.broadcast %convert_element_type3A_32 : vector<8x1xf32> to vector<8x40xf32>
    %mul3A_326 = arith.mulf %concatenate3A_324, %mul3A_325 : vector<8x40xf32>
    %swap3A_327 = arith.constant 0 : index
    %swap3A_328 = arith.constant 0 : index
    %swap3A_329 = vector.load %arg7[%swap3A_327, %swap3A_328] : memref<8x40xf32, #tpu.memory_space<vmem>>, vector<8x40xf32>
    tpu.vector_store %arg7[%swap3A_327, %swap3A_328], %mul3A_326 {strides = array<i32>} : memref<8x40xf32, #tpu.memory_space<vmem>>, vector<8x40xf32>,
    return
  }
  func.func @transform_0(%arg0: i32) -> (i32, i32) {
    %c0_i32 = arith.constant 0 : i32
    %c0_i32_0 = arith.constant 0 : i32
    return %arg0, %c0_i32 : i32, i32
  }
  func.func @transform_1(%arg0: i32) -> (i32, i32) {
    %c0_i32 = arith.constant 0 : i32
    %c0_i32_0 = arith.constant 0 : i32
    %c0_i32_1 = arith.constant 0 : i32
    return %c0_i32, %c0_i32_0 : i32, i32
  }
  func.func @transform_2(%arg0: i32) -> (i32, i32) {
    %c0_i32 = arith.constant 0 : i32
    %c0_i32_0 = arith.constant 0 : i32
    return %arg0, %c0_i32 : i32, i32
  }
  func.func @transform_3(%arg0: i32) -> (i32, i32) {
    %c0_i32 = arith.constant 0 : i32
    %c0_i32_0 = arith.constant 0 : i32
    return %arg0, %c0_i32 : i32, i32
  }
  func.func @transform_4(%arg0: i32) -> (i32, i32) {
    %c0_i32 = arith.constant 0 : i32
    %c0_i32_0 = arith.constant 0 : i32
    return %arg0, %c0_i32 : i32, i32
  }
  func.func @transform_5(%arg0: i32) -> (i32, i32) {
    %c0_i32 = arith.constant 0 : i32
    %c0_i32_0 = arith.constant 0 : i32
    return %arg0, %c0_i32 : i32, i32
  }
  func.func @transform_6(%arg0: i32) -> (i32, i32) {
    %c0_i32 = arith.constant 0 : i32
    %c0_i32_0 = arith.constant 0 : i32
    return %arg0, %c0_i32 : i32, i32
  }
}

</mosaic_0001>

<sc_bundles>
// kernel: kernel.4.cloned.1.call-start
scs
__scs_entry_jumppad:
0x0: {  	(pc) =	sbr.rel $0x88, $3  }
0x1: {  	(tag) =	ssettag $0x0;
	lr =	simm.s32 $0x1  }
0x2: {  	[smem:$0x3F9F] =	sst lr;
	_ =	strace $0xD0000000  }
0x3: {  	_ = 	snop  }
0x4: {  	_ = 	snop  }
0x5: {  	_ = 	snop  }
0x6: {  	_ = 	snop  }
0x7: {  	_ = 	snop  }
__scs_overlays_trampoline_lowered:
0x8: {  	[smem:$0x3FAE] =	sst s0  }
0x9: {  	[smem:$0x3FAF] =	sst s1  }
0xa: {  	[smem:$0x3FB0] =	sst s2  }
0xb: {  	[smem:$0x3FB1] =	sst s3  }
0xc: {  	[smem:$0x3FB2] =	sst s4  }
0xd: {  	[smem:$0x3FB3] =	sst s5  }
0xe: {  	[smem:$0x3FB4] =	sst s6  }
0xf: {  	[smem:$0x3FB5] =	sst s7  }
0x10: {  	[smem:$0x3FB6] =	sst s8  }
0x11: {  	[smem:$0x3FB7] =	sst s9;
	s0 =	simm.s32 @!p0 $0x0  }
0x12: {  	s1 =	sld [smem:$0x3F9D];
	s0 =	simm.s32 @p0 $0x1  }
0x13: {  	[smem:$0x3FB8] =	sst s0;
	s0 =	simm.s32 @!p1 $0x0  }
0x14: {  	s2 =	sld [smem:$0x3F9C];
	s0 =	simm.s32 @p1 $0x1  }
0x15: {  	[smem:$0x3FB9] =	sst s0;
	s0 =	simm.s32 @!p2 $0x0  }
0x16: {  	s3 =	sld [smem:$0x3FDB];
	s0 =	simm.s32 @p2 $0x1  }
0x17: {  	s4 =	simm.s32 $0x1BF5;
	[smem:$0x3FBB] =	sst s0  }
0x18: {  	s0 =	sld [smem:$0x3F9E];
	_ =	swait.ge [sflag:s4], $0x0  }
0x19: {  	s7 =	sld [smem:$0x3F9F]  }
0x1a: {  	s8 =	sadd.s32 $0xFFFFE003, lr  }
0x1b: {  	s9 =	sadd.s32 $0xFFFFFEF7, lr;
	s5 =	simm.s32 $0xFFFFFFFF;
	p2 =	slt.u32 s8, $0xFFFFF086  }
0x1c: {  	p1 =	slt.u32 s9, $0xF7A;
	s5 =	simm.s32 @!p2 $0x0  }
0x1d: {  	s5 =	simm.s32 @p1 $0x1;
	p0 =	seq.s32 s7, s2  }
0x1e: {  	s7 =	smul.u32 @!p0 $0xF7A, s2;
	p2 =	seq.s32 @!p0 s5, $0x0  }
0x1f: {  	s9 =	smul.u32 $0xF7A, s1;
	s8 =	simm.s32 @!p0 $0x1BF5;
	p2 =	por !p2, p0  }
0x20: {  	[sflag:s8] =	ssyncset.s32 @!p0 $0xFFFFF086;
	s6 =	sadd.s32 @!p0 s3, s7;
	s7 =	simm.s32 @!p0 $0x108  }
0x21: {  	s3 =	sadd.s32 s3, s9;
	s6 =	sadd.s32 @!p0 $0x88, s6;
	s7 =	simm.s32 @p2 $0x1082  }
0x22: {  	[simem:s7], [sflag:s8] =	dma.local @!p0 [hbm:s6], $0xF7A  }
0x23: {  	s9 =	sor.u32 $0xD0000000, s2;
	s6 =	simm.s32 $0x108;
	_ =	swait.ge @!p0 [sflag:s8], $0x0  }
0x24: {  	s3 =	sadd.s32 $0x88, s3;
	s6 =	simm.s32 @!p1 $0x1082;
	[sflag:s4] =	ssyncset.s32 $0xFFFFF086  }
0x25: {  	[simem:s6], [sflag:s4] =	dma.local [hbm:s3], $0xF7A  }
0x26: {  	[smem:$0x3F9F] =	sst s1;
	(tag) =	ssettag s2;
	_ =	strace s9  }
0x27: {  	s1 =	sld [smem:$0x3FAF]  }
0x28: {  	s2 =	sld [smem:$0x3FB0]  }
0x29: {  	s4 =	sld [smem:$0x3FB2]  }
0x2a: {  	p0 =	seq.s32 s5, $0x0;
	s5 =	sld [smem:$0x3FB3]  }
0x2b: {  	s6 =	sld [smem:$0x3FB4]  }
0x2c: {  	s7 =	sld [smem:$0x3FB5]  }
0x2d: {  	s3 =	simm.s32 $0x108;
	s8 =	sld [smem:$0x3FB6]  }
0x2e: {  	s3 =	simm.s32 @!p0 $0x1082;
	s9 =	sld [smem:$0x3FB7]  }
0x2f: {  	lr =	sadd.s32 s0, s3;
	s0 =	sld [smem:$0x3FAE]  }
0x30: {  	s3 =	sld [smem:$0x3FB1]  }
0x31: {  	[smem:$0x3FBA] =	sst s10  }
0x32: {  	s10 =	sld [smem:$0x3FB8];
	_ =	sdelay $0x3  }
0x33: {  	p0 =	seq.s32 s10, $0x1;
	s10 =	sld [smem:$0x3FBA];
	_ =	sdelay $0x3  }
0x34: {  	[smem:$0x3FBA] =	sst s10  }
0x35: {  	s10 =	sld [smem:$0x3FB9];
	_ =	sdelay $0x3  }
0x36: {  	p1 =	seq.s32 s10, $0x1;
	s10 =	sld [smem:$0x3FBA];
	_ =	sdelay $0x3  }
0x37: {  	[smem:$0x3FBA] =	sst s10  }
0x38: {  	s10 =	sld [smem:$0x3FBB]  }
0x39: {  	_ = 	snop;
	(pc) =	sbr.ind lr, $3  }
0x3a: {  	_ = 	snop  }
0x3b: {  	_ = 	snop  }
0x3c: {  	p2 =	seq.s32 s10, $0x1;
	s10 =	sld [smem:$0x3FBA]  }
0x3d: {  	_ =	shalt  }
0x3e: {  	_ =	shalt  }
0x3f: {  	_ =	shalt  }
0x40: {  	_ =	shalt  }
0x41: {  	_ =	shalt  }
0x42: {  	_ =	shalt  }
0x43: {  	_ =	shalt  }
0x44: {  	_ =	shalt  }
0x45: {  	_ =	shalt  }
0x46: {  	_ =	shalt  }
0x47: {  	_ =	shalt  }
0x48: {  	_ =	shalt  }
0x49: {  	_ =	shalt  }
0x4a: {  	_ =	shalt  }
0x4b: {  	_ =	shalt  }
0x4c: {  	_ =	shalt  }
0x4d: {  	_ =	shalt  }
0x4e: {  	_ =	shalt  }
0x4f: {  	_ =	shalt  }
0x50: {  	_ =	shalt  }
0x51: {  	_ =	shalt  }
0x52: {  	_ =	shalt  }
0x53: {  	_ =	shalt  }
0x54: {  	_ =	shalt  }
0x55: {  	_ =	shalt  }
0x56: {  	_ =	shalt  }
0x57: {  	_ =	shalt  }
0x58: {  	_ =	shalt  }
0x59: {  	_ =	shalt  }
0x5a: {  	_ =	shalt  }
0x5b: {  	_ =	shalt  }
0x5c: {  	_ =	shalt  }
0x5d: {  	_ =	shalt  }
0x5e: {  	_ =	shalt  }
0x5f: {  	_ =	shalt  }
0x60: {  	_ =	shalt  }
0x61: {  	_ =	shalt  }
0x62: {  	_ =	shalt  }
0x63: {  	_ =	shalt  }
0x64: {  	_ =	shalt  }
0x65: {  	_ =	shalt  }
0x66: {  	_ =	shalt  }
0x67: {  	_ =	shalt  }
0x68: {  	_ =	shalt  }
0x69: {  	_ =	shalt  }
0x6a: {  	_ =	shalt  }
0x6b: {  	_ =	shalt  }
0x6c: {  	_ =	shalt  }
0x6d: {  	_ =	shalt  }
0x6e: {  	_ =	shalt  }
0x6f: {  	_ =	shalt  }
0x70: {  	_ =	shalt  }
0x71: {  	_ =	shalt  }
0x72: {  	_ =	shalt  }
0x73: {  	_ =	shalt  }
0x74: {  	_ =	shalt  }
0x75: {  	_ =	shalt  }
0x76: {  	_ =	shalt  }
0x77: {  	_ =	shalt  }
0x78: {  	_ =	shalt  }
0x79: {  	_ =	shalt  }
0x7a: {  	_ =	shalt  }
0x7b: {  	_ =	shalt  }
0x7c: {  	_ =	shalt  }
0x7d: {  	_ =	shalt  }
0x7e: {  	_ =	shalt  }
0x7f: {  	_ =	shalt  }
0x80: {  	_ =	shalt  }
0x81: {  	_ =	shalt  }
0x82: {  	_ =	shalt  }
0x83: {  	_ =	shalt  }
0x84: {  	_ =	shalt  }
0x85: {  	_ =	shalt  }
0x86: {  	_ =	shalt  }
0x87: {  	_ =	shalt  }
.Lfunc_end0:
.L_simem_size_0:
called_computation_lowered:
.L_overlay_start_0:
0x88: {  	s2 =	sld [smem:$0x3FD9]  }
0x89: {  	s3 =	sld [smem:$0x3FFE];
	_ =	sdelay $0x1  }
0x8a: {  	s1 =	srdreg.scid  }
0x8b: {  	s0 =	sand.u32 $0x1, s1  }
0x8c: {  	s14 =	sshll.u32 s0, $0xA;
	s2 =	sadd.s32 s3, s2  }
0x8d: {  	s2 =	sadd.s32 s2, s14  }
0x8e: {  	[smem:$0x3FC6] =	sst s2  }
0x8f: {  	_ = 	snop  }
0x90: {  	s2 =	sld [smem:$0x3FD0];
	_ =	sdelay $0x2  }
0x91: {  	s15 =	simm.s32 $0xA;
	s4 =	simm.s32 $0x10  }
0x92: {  	[smem:s4], [sflag:s15] =	dma.local [hbm:s2], $0x1  }
0x93: {  	_ =	swait.eq [sflag:s15], $0x1  }
0x94: {  	[sflag:s15] =	ssyncset.done $0x0  }
0x95: {  	[sflag:s15] =	ssyncadd.s32 $0xFFFFFFFF  }
0x96: {  	s16 =	sld [smem:$0x10];
	(tm) =	ssettm $0x1  }
0x97: {  	s17 =	sld [smem:$0x3FFB];
	_ =	sdelay $0x3  }
0x98: {  	_ =	strace s17  }
0x99: {  	s3 =	sld [smem:$0x3FFC];
	_ =	sdelay $0x3  }
0x9a: {  	_ =	strace s3  }
0x9b: {  	s3 =	sld [smem:$0x3FFD];
	_ =	sdelay $0x3  }
0x9c: {  	_ =	strace s3  }
0x9d: {  	_ =	strace $0x8FFFFFFF  }
0x9e: {  	s18 =	sld [smem:$0x3FDB];
	_ =	sdelay $0x1  }
0x9f: {  	s19 =	simm.s32 $_scs_section_size  }
0xa0: {  	s5 =	simm.s32 $_size__tile_overlayer_lowered;
	s6 =	simm.s32 $_tile_overlayer_lowered  }
0xa1: {  	s22 =	simm.s32 $0x1BFF;
	s21 =	sshll.u32 s6, $0x1;
	s3 =	sadd.s32 s19, s18  }
0xa2: {  	s7 =	simm.s32 $0x0;
	s20 =	sshll.u32 s5, $0x1;
	s5 =	sadd.s32 s21, s3  }
0xa3: {  	[timem:s7], [sflag:s22] =	dma.local [hbm:s5], s20  }
0xa4: {  	_ =	swait.ge [sflag:s22], s20  }
0xa5: {  	s4 =	ssub.s32 $0x0, s20;
	[sflag:s22] =	ssyncset.done $0x0  }
0xa6: {  	[sflag:s22] =	ssyncadd.s32 s4;
	_ =	sdelay $0x1  }
0xa7: {  	s23 =	simm.s32 $0x1B8B  }
0xa8: {  	_ =	swait.ge [sflag:s23], $0x1  }
0xa9: {  	[sflag:s23] =	ssyncset.done $0x0  }
0xaa: {  	s25 =	simm.s32 $0x1B8E;
	s24 =	sld [smem:$0x3FFE];
	[sflag:s23] =	ssyncadd.s32 $0xFFFFFFFF  }
0xab: {  	s26 =	simm.s32 $execute0_lowered;
	[smem:$0x3FD2] =	sst s25  }
0xac: {  	s5 =	sshll.u32 s26, $0x1;
	_ =	strace $0x80000046;
	[dreg:$0x1] =	wrdreg $0xFFFFFFFF  }
0xad: {  	s28 =	simm.s32 $_size_execute0_lowered;
	s3 =	sadd.s32 s3, s5;
	[dreg:$0x0] =	wrdreg $0x0  }
0xae: {  	s5 =	sshll.u32 s28, $0x1;
	[dreg:$0x2] =	wrdreg s3  }
0xaf: {  	[dreg:$0x3] =	wrdreg s5  }
0xb0: {  	[dreg:$0x4] =	wrdreg $0xC0  }
0xb1: {  	_ =	task [dreg:s7], $0x5FFFF  }
0xb2: {  	[dreg:$0x1] =	wrdreg $0xFFFFFFFF  }
0xb3: {  	[dreg:$0x0] =	wrdreg $0x60  }
0xb4: {  	[dreg:$0x2] =	wrdreg s24  }
0xb5: {  	[dreg:$0x3] =	wrdreg s16  }
0xb6: {  	[dreg:$0x4] =	wrdreg $0x9  }
0xb7: {  	_ =	task.clear_ibuf [dreg:s7], $0x5FFFF;
	_ =	strace $0x90000046  }
0xb8: {  	s29 =	simm.s32 $0x9;
	_ =	strace $0x80000048  }
0xb9: {  	_ =	swait.ge [sflag:s29], $0x1  }
0xba: {  	[sflag:s29] =	ssyncadd.s32 $0xFFFFFFFF  }
0xbb: {  	_ =	strace $0x90000048  }
0xbc: {  	_ =	sfence  }
0xbd: {  	s30 =	sld [smem:$0x0];
	_ =	sdelay $0x2  }
0xbe: {  	s31 =	sshll.u32 s1, $0xD;
	s1 =	sshrl.u32 s1, $0x2  }
0xbf: {  	s3 =	sand.u32 $0x4000, s31;
	s1 =	sadd.s32 s1, s30  }
0xc0: {  	s0 =	sor.u32 s3, s0;
	s1 =	sshll.u32 s1, $0x11  }
0xc1: {  	s0 =	sor.u32 s1, s0  }
0xc2: {  	s0 =	sadd.s32 $0x8F2B, s0  }
0xc3: {  	[sflag:s0] =	ssyncadd.remote.s32 $0x1  }
0xc4: {  	_ =	sfence.sel $0xFFFF  }
0xc5: {  	[dreg:$0x0] =	wrdreg $0xFFFFFFFF;
	(pc) =	sbr.abs _section_cstart, $3  }
0xc6: {  	[dreg:$0x1] =	wrdreg $0xFFFFFFFF  }
0xc7: {  	_ =	task.clear_ibuf [dreg:s7], $0x2FFFF;
	_ =	strace $0x9FFFFFFF  }
0xc8: {  	(tm) =	ssettm $0x7FFFFFFF  }
0xc9: {  	_ =	shalt  }
tec
execute0_lowered:
.L_overlay_start_1:
0x0: {  	(tag) =	ssettag $0x1  }
0x1: {  	s0 =	srdreg.scid  }
0x2: {  	s0 =	sand.u32 $0x1, s0  }
0x3: {  	s1 =	stileid.u32;
	p0 =	seq.s32 s0, $0x1  }
0x4: {  	p1 =	sgt.u32 @!p0 s1, $0x2  }
0x5: {  	p0 =	por p0, p1  }
.Ltmp0:
0x6: {  	_ = 	snop;
	(pc) =	sbr.rel @p0 .LBB2_4-.Ltmp0, $4  }
0x7: {  	s4 =	rddreg [dreg:$0x0]  }
0x8: {  	s3 =	rddreg [dreg:$0x1];
	s5 =	simm.s32 $0x0  }
0x9: {  	[smem:$0x7FF] =	sst s5  }
0xa: {  	s0 =	rddreg [dreg:$0x2];
	_ =	strace $0x80000047  }
0xb: {  	s2 =	sadd.s32 $0xC00, s4  }
0xc: {  	s6 =	sshll.u32 s1, $0x4;
	s8 =	simm.s32 $0x80;
	s9 =	simm.s32 $0x200  }
0xd: {  	s28 =	simm.s32 $0x1;
	s7 =	sadd.s32 s2, s6;
	s2 =	simm.s32 $0xA00  }
0xe: {  	[tilespmem:s2], [sflag:$0x1] =	stream.strided.gather [hbm4b:s7+s8], $0x10000, s9, s8, $0x38;
	[tilespmem:$0x10A00] =	vst v63  }
0xf: {  	_ =	swait.ge [sflag:s28], $0x10000  }
0x10: {  	[sflag:s28] =	ssyncset.done $0x0  }
0x11: {  	s29 =	sadd.s32 $0xA00, s4;
	[sflag:s28] =	ssyncadd.s32 $0xFFFF0000  }
0x12: {  	[tilespmem:s5], [sflag:$0x1] =	stream.linear.gather [hbm4b:s29+s5], $0xA00, $0x38;
	[tilespmem:$0x10A00] =	vst v63  }
0x13: {  	s30 =	sshll.u32 s1, $0x10;
	_ =	swait.ge [sflag:s28], $0xA00  }
0x14: {  	s4 =	simm.s32 $0x40;
	s31 =	sadd.s32 $0x10000, s30;
	[sflag:s28] =	ssyncset.done $0x0  }
0x15: {  	v1 =	vimm.f32 $1.000000000e+00;
	s3 =	sadd.s32 s3, s6;
	v0 =	vmov s30;
	v2 =	vmov s31;
	s5 =	simm.s32 $0x0;
	[sflag:s28] =	ssyncadd.s32 $0xFFFFF600  }
.LBB2_2:
0x16: {  	p0 =	sne.s32 s4, $0x27C0;
	v3 =	vld [tilespmem:s5+$0x0];
	_ =	sdelay $0x4  }
0x17: {  	vm0 =	vge.s32 v3, v0;
	vm1 =	vlt.s32 v3, v2  }
0x18: {  	v3 =	vsub.s32 v3, v0;
	vm0 =	vmand vm0, vm1  }
0x19: {  	v3 =	vnsel vm0, $0x0, v3  }
.Ltmp1:
0x1a: {  	(pc) =	sbr.rel @p0 .LBB2_2-.Ltmp1, $2  }
0x1b: {  	_ =	sdelay $0x2  }
0x1c: {  	s5 =	sshra.s32 s4, $0x2;
	s4 =	sadd.s32 $0x40, s4;
	[tilespmem:v3+s2+$0x0] =	vst.idx.msk vm0, v1  }
0x1d: {  	v3 =	vld [tilespmem:s5+$0x0];
	_ =	sdelay $0x4  }
0x1e: {  	vm0 =	vge.s32 v3, v0;
	vm1 =	vlt.s32 v3, v2  }
0x1f: {  	v63 =	vsub.s32 v3, v0;
	vm0 =	vmand vm0, vm1  }
0x20: {  	v0 =	vnsel vm0, $0x0, v63;
	_ =	sdelay $0x3  }
0x21: {  	s29 =	simm.s32 $0x80  }
0x22: {  	s4 =	simm.s32 $0x200;
	s30 =	simm.s32 $0xA00;
	s31 =	simm.s32 $0x1;
	[tilespmem:v0+s2+$0x0] =	vst.idx.msk vm0, v1  }
0x23: {  	[hbm4b:s3+s29] =	stream.strided.scatter [tilespmem:s30], [sflag:$0x1], $0x10000, s4, s29, $0x38;
	[tilespmem:$0x10A00] =	vst v63  }
0x24: {  	_ =	swait.ge [sflag:s31], $0x10000  }
0x25: {  	[sflag:s31] =	ssyncset.done $0x0  }
0x26: {  	[sflag:s31] =	ssyncadd.s32 $0xFFFF0000  }
.LBB2_4:
0x27: {  	_ =	sfence.sel $0x180000  }
0x28: {  	[bflag:$0x0] =	sbarrier.arrive $0xFFFF  }
0x29: {  	p0 =	sne.s32 s1, $0x0;
	_ =	strace $0x90000047  }
0x2a: {  	s0 =	sadd.s32 @!p0 $0x100000, s0;
	[bflag:$0x2] =	sbarrier.arrive $0xFFFF  }
0x2b: {  	[sflag:s0] =	ssyncadd.tile.s32 @!p0 $0x1;
	_ =	shalt  }
.Lfunc_end2:
_tile_overlayer_lowered:
.L_overlay_start_2:
0x2c: {  	(tag) =	ssettag $0x2  }
0x2d: {  	s0 =	rddreg [dreg:$0x0];
	s2 =	stileid.u32  }
0x2e: {  	s1 =	rddreg [dreg:$0x1];
	p0 =	sne.s32 s2, $0x0  }
0x2f: {  	s3 =	rddreg [dreg:$0x2];
	[bflag:$0x3] =	sbarrier.arrive $0xFFFF;
	s2 =	simm.s32 @!p0 $0x1C01  }
0x30: {  	[timem:s3], [sflag:s2] =	dma.local @!p0 [hbm:s0], s1  }
0x31: {  	s0 =	simm.s32 @!p0 $0x1  }
0x32: {  	_ =	swait.ge @!p0 [sflag:s0], s1  }
0x33: {  	s1 =	ssub.s32 @!p0 $0x0, s1;
	[sflag:s0] =	ssyncset.done @!p0 $0x0  }
0x34: {  	[sflag:s0] =	ssyncadd.s32 @!p0 s1  }
0x35: {  	[bflag:$0x3] =	sbarrier.arrive $0xFFFF  }
0x36: {  	_ =	shalt  }

</sc_bundles>
